<compile_context>
chip_gen: v7x
topology: tpu7x:2x2x1
jax: 0.10.2.dev20260603
libtpu: 0.0.44.dev20260713+nightly
codegen_flags: <defaults>
</compile_context>

<pallas_src>
import functools

import jax
import jax.numpy as jnp
from jax import lax
from jax.experimental import pallas as pl
from jax.experimental.pallas import tpu as pltpu
from jax.experimental.pallas import tpu_sc as plsc

VOCAB = 1000000
DIM = 64
BATCH = 16384

_NC = 2
_NS = 16
_NW = _NC * _NS
_BPW = BATCH // _NW
_CHUNK = 128
_NCHUNK = _BPW // _CHUNK


def _sc_gather(table, hidx2d, tidx2d):
    mesh = plsc.VectorSubcoreMesh(core_axis_name="c", subcore_axis_name="s")

    @functools.partial(
        pl.kernel,
        mesh=mesh,
        out_type=[
            jax.ShapeDtypeStruct((BATCH, DIM), jnp.float32),
            jax.ShapeDtypeStruct((BATCH, DIM), jnp.float32),
        ],
        scratch_types=[
            pltpu.VMEM((_NCHUNK, _CHUNK), jnp.int32),
            pltpu.VMEM((_NCHUNK, _CHUNK), jnp.int32),
            pltpu.VMEM((_BPW, DIM), jnp.float32),
            pltpu.VMEM((_BPW, DIM), jnp.float32),
            pltpu.SemaphoreType.DMA,
            pltpu.SemaphoreType.DMA,
        ],
        compiler_params=pltpu.CompilerParams(use_tc_tiling_on_sc=False),
    )
    def body(table_hbm, hidx_hbm, tidx_hbm, hg_hbm, tg_hbm,
             hidx_v, tidx_v, hrows_v, trows_v, hsem, tsem):
        wid = lax.axis_index("s") * _NC + lax.axis_index("c")
        base = wid * _BPW
        row4 = wid * _NCHUNK
        pltpu.sync_copy(hidx_hbm.at[pl.ds(row4, _NCHUNK)], hidx_v)
        pltpu.sync_copy(tidx_hbm.at[pl.ds(row4, _NCHUNK)], tidx_v)
        hcopies = [
            pltpu.async_copy(
                table_hbm.at[hidx_v.at[c]],
                hrows_v.at[pl.ds(c * _CHUNK, _CHUNK)], hsem)
            for c in range(_NCHUNK)
        ]
        tcopies = [
            pltpu.async_copy(
                table_hbm.at[tidx_v.at[c]],
                trows_v.at[pl.ds(c * _CHUNK, _CHUNK)], tsem)
            for c in range(_NCHUNK)
        ]
        for cp in hcopies:
            cp.wait()
        for cp in tcopies:
            cp.wait()
        pltpu.sync_copy(hrows_v, hg_hbm.at[pl.ds(base, _BPW)])
        pltpu.sync_copy(trows_v, tg_hbm.at[pl.ds(base, _BPW)])

    return body(table, hidx2d, tidx2d)


def _mlp_body(h_ref, t_ref, a_ref, b_ref, b1_ref, w2t_ref, b2_ref, o_ref):
    x = (jnp.dot(h_ref[...], a_ref[...], preferred_element_type=jnp.float32)
         + jnp.dot(t_ref[...], b_ref[...], preferred_element_type=jnp.float32)
         + b1_ref[...])
    x = jnp.maximum(x, 0.0)
    o_ref[...] = (jnp.dot(x, w2t_ref[...], preferred_element_type=jnp.float32)
                  + b2_ref[...])


def _tc_mlp(hg, tg, w1h_t, w1t_t, b1, w2t, b2):
    blk = 2048
    grid = BATCH // blk
    return pl.pallas_call(
        _mlp_body,
        grid=(grid,),
        in_specs=[
            pl.BlockSpec((blk, DIM), lambda i: (i, 0)),
            pl.BlockSpec((blk, DIM), lambda i: (i, 0)),
            pl.BlockSpec((DIM, DIM), lambda i: (0, 0)),
            pl.BlockSpec((DIM, DIM), lambda i: (0, 0)),
            pl.BlockSpec((1, DIM), lambda i: (0, 0)),
            pl.BlockSpec((DIM, 2), lambda i: (0, 0)),
            pl.BlockSpec((1, 2), lambda i: (0, 0)),
        ],
        out_specs=pl.BlockSpec((blk, 2), lambda i: (i, 0)),
        out_shape=jax.ShapeDtypeStruct((BATCH, 2), jnp.float32),
    )(hg, tg, w1h_t, w1t_t, b1, w2t, b2)


def kernel(heads, tails, entity_embeddings, W1, b1, W2, b2):
    hidx2d = heads.astype(jnp.int32).reshape(BATCH // _CHUNK, _CHUNK)
    tidx2d = tails.astype(jnp.int32).reshape(BATCH // _CHUNK, _CHUNK)
    hg, tg = _sc_gather(entity_embeddings, hidx2d, tidx2d)
    w1t = W1.T
    w1h_t = w1t[:DIM]
    w1t_t = w1t[DIM:]
    return _tc_mlp(hg, tg, w1h_t, w1t_t, b1.reshape(1, DIM),
                   W2.T, b2.reshape(1, 2))

# --- scband reference (transcript-rebuilt; emitter-appended) ---
"""Pipeline reference for scband-relation-model-11854109737639 (READ-ONLY COPY).

The authoritative reference and input builder live on the scoring server;
editing this copy changes nothing except your own understanding.
"""

import jax, jax.numpy as jnp
import numpy as np

VOCAB = 1000000
DIM = 64
BATCH = 16384


def setup_inputs(seed: int = 0) -> dict:
    key = jax.random.key(seed)
    k1, k2, k3, k4, k5, k6, k7 = jax.random.split(key, 7)
    heads = jax.random.randint(k1, (BATCH,), 0, VOCAB, dtype=jnp.int64 if jax.config.jax_enable_x64 else jnp.int32)
    tails = jax.random.randint(k2, (BATCH,), 0, VOCAB, dtype=jnp.int64 if jax.config.jax_enable_x64 else jnp.int32)
    entity_embeddings = jax.random.normal(k3, (VOCAB, DIM), dtype=jnp.float32) * 0.02
    # fc: Linear(2*DIM -> DIM), ReLU, Linear(DIM -> 2); torch Linear weight is [out, in]
    W1 = jax.random.normal(k4, (DIM, 2 * DIM), dtype=jnp.float32) * (1.0 / np.sqrt(2 * DIM))
    b1 = jax.random.normal(k5, (DIM,), dtype=jnp.float32) * 0.01
    W2 = jax.random.normal(k6, (2, DIM), dtype=jnp.float32) * (1.0 / np.sqrt(DIM))
    b2 = jax.random.normal(k7, (2,), dtype=jnp.float32) * 0.01
    return {"heads": heads, "tails": tails, "entity_embeddings": entity_embeddings,
            "W1": W1, "b1": b1, "W2": W2, "b2": b2}


def reference(heads, tails, entity_embeddings, W1, b1, W2, b2):
    h = jnp.take(entity_embeddings, heads, axis=0)
    t = jnp.take(entity_embeddings, tails, axis=0)
    x = jnp.concatenate((h, t), axis=1)
    x = x @ W1.T + b1
    x = jax.nn.relu(x)
    res = x @ W2.T + b2
    return res

if __name__ == "__main__":
    import jax
    _d = setup_inputs()
    print(jax.jit(kernel)(*tuple(_d.values())))

</pallas_src>

<mosaic_0001>
#map = affine_map<(d0, d1) -> (0, 0)>
module attributes {stable_mosaic.version = 14 : i64} {
  func.func @body(%arg0: i32, %arg1: i32, %arg2: memref<1000000x64xf32, #tpu.memory_space<hbm>>, %arg3: memref<128x128xi32, #tpu.memory_space<hbm>>, %arg4: memref<128x128xi32, #tpu.memory_space<hbm>>, %arg5: memref<16384x64xf32, #tpu.memory_space<hbm>>, %arg6: memref<16384x64xf32, #tpu.memory_space<hbm>>, %arg7: memref<4x128xi32, #tpu.memory_space<vmem>>, %arg8: memref<4x128xi32, #tpu.memory_space<vmem>>, %arg9: memref<512x64xf32, #tpu.memory_space<vmem>>, %arg10: memref<512x64xf32, #tpu.memory_space<vmem>>, %arg11: memref<!tpu.dma_semaphore, #tpu.memory_space<semaphore_mem>>, %arg12: memref<!tpu.dma_semaphore, #tpu.memory_space<semaphore_mem>>) attributes {dimension_semantics = [#tpu.dimension_semantics<core_parallel>, #tpu.dimension_semantics<subcore_parallel>], iteration_bounds = array<i64: 2, 16>, scalar_prefetch = 0 : i64, scratch_operands = 6 : i64, tpu.core_type = #tpu.core_type<sc_vector_subcore>, window_params = [{transform_indices = #map}, {transform_indices = #map}, {transform_indices = #map}, {transform_indices = #map}, {transform_indices = #map}]} {
    %mul3A = arith.constant 2 : i32
    %mul3A_0 = arith.muli %arg1, %mul3A : i32
    %add3A = arith.addi %mul3A_0, %arg0 : i32
    %mul3A_1 = arith.constant 512 : i32
    %mul3A_2 = arith.muli %add3A, %mul3A_1 : i32
    %mul3A_3 = arith.constant 4 : i32
    %mul3A_4 = arith.muli %add3A, %mul3A_3 : i32
    "tpu.region"() ({
      %run_scoped3A = tpu.sem_alloc : memref<!tpu.dma_semaphore, #tpu.memory_space<semaphore_mem>>
      %dma_start3A_163 = arith.constant 0 : i32
      %dma_start3A_164 = tpu.memref_slice %arg3[%mul3A_4, %dma_start3A_163] : memref<128x128xi32, #tpu.memory_space<hbm>> -> memref<4x128xi32, #tpu.memory_space<hbm>>
      %dma_start3A_165 = arith.constant 0 : i32
      %dma_start3A_166 = tpu.memref_slice %arg3[%mul3A_4, %dma_start3A_165] : memref<128x128xi32, #tpu.memory_space<hbm>> -> memref<4x128xi32, #tpu.memory_space<hbm>>
      tpu.enqueue_dma source(%dma_start3A_166 : memref<4x128xi32, #tpu.memory_space<hbm>>) target(%arg7 : memref<4x128xi32, #tpu.memory_space<vmem>>) target_semaphore(%run_scoped3A : memref<!tpu.dma_semaphore, #tpu.memory_space<semaphore_mem>>)
      %dma_wait3A_167 = arith.constant 0 : i32
      %dma_wait3A_168 = tpu.memref_slice %arg3[%mul3A_4, %dma_wait3A_167] : memref<128x128xi32, #tpu.memory_space<hbm>> -> memref<4x128xi32, #tpu.memory_space<hbm>>
      %dma_wait3A_169 = arith.constant 0 : i32
      %dma_wait3A_170 = tpu.memref_slice %arg3[%mul3A_4, %dma_wait3A_169] : memref<128x128xi32, #tpu.memory_space<hbm>> -> memref<4x128xi32, #tpu.memory_space<hbm>>
      tpu.wait_dma2 semaphore(%run_scoped3A : memref<!tpu.dma_semaphore, #tpu.memory_space<semaphore_mem>>) src(%dma_wait3A_170 : memref<4x128xi32, #tpu.memory_space<hbm>>) dst(%arg7 : memref<4x128xi32, #tpu.memory_space<vmem>>)
      tpu.yield
    }) : () -> ()
    "tpu.region"() ({
      %run_scoped3A = tpu.sem_alloc : memref<!tpu.dma_semaphore, #tpu.memory_space<semaphore_mem>>
      %dma_start3A_163 = arith.constant 0 : i32
      %dma_start3A_164 = tpu.memref_slice %arg4[%mul3A_4, %dma_start3A_163] : memref<128x128xi32, #tpu.memory_space<hbm>> -> memref<4x128xi32, #tpu.memory_space<hbm>>
      %dma_start3A_165 = arith.constant 0 : i32
      %dma_start3A_166 = tpu.memref_slice %arg4[%mul3A_4, %dma_start3A_165] : memref<128x128xi32, #tpu.memory_space<hbm>> -> memref<4x128xi32, #tpu.memory_space<hbm>>
      tpu.enqueue_dma source(%dma_start3A_166 : memref<4x128xi32, #tpu.memory_space<hbm>>) target(%arg8 : memref<4x128xi32, #tpu.memory_space<vmem>>) target_semaphore(%run_scoped3A : memref<!tpu.dma_semaphore, #tpu.memory_space<semaphore_mem>>)
      %dma_wait3A_167 = arith.constant 0 : i32
      %dma_wait3A_168 = tpu.memref_slice %arg4[%mul3A_4, %dma_wait3A_167] : memref<128x128xi32, #tpu.memory_space<hbm>> -> memref<4x128xi32, #tpu.memory_space<hbm>>
      %dma_wait3A_169 = arith.constant 0 : i32
      %dma_wait3A_170 = tpu.memref_slice %arg4[%mul3A_4, %dma_wait3A_169] : memref<128x128xi32, #tpu.memory_space<hbm>> -> memref<4x128xi32, #tpu.memory_space<hbm>>
      tpu.wait_dma2 semaphore(%run_scoped3A : memref<!tpu.dma_semaphore, #tpu.memory_space<semaphore_mem>>) src(%dma_wait3A_170 : memref<4x128xi32, #tpu.memory_space<hbm>>) dst(%arg8 : memref<4x128xi32, #tpu.memory_space<vmem>>)
      tpu.yield
    }) : () -> ()
    %dma_start3A = arith.constant 0 : i32
    %dma_start3A_5 = arith.constant 0 : i32
    %dma_start3A_6 = arith.constant 0 : i32
    %dma_start3A_7 = tpu.memref_slice %arg9[%dma_start3A_5, %dma_start3A_6] : memref<512x64xf32, #tpu.memory_space<vmem>> -> memref<128x64xf32, #tpu.memory_space<vmem>>
    %dma_start3A_8 = arith.constant 0 : i32
    %dma_start3A_9 = tpu.memref_slice %arg7[%dma_start3A, %dma_start3A_8] : memref<4x128xi32, #tpu.memory_space<vmem>> -> memref<1x128xi32, #tpu.memory_space<vmem>>
    %dma_start3A_10 = tpu.memref_squeeze %dma_start3A_9 : memref<1x128xi32, #tpu.memory_space<vmem>> -> memref<128xi32, #tpu.memory_space<vmem>>
    %dma_start3A_11 = arith.constant 0 : i32
    %dma_start3A_12 = arith.constant 0 : i32
    %dma_start3A_13 = tpu.memref_slice %arg2[%dma_start3A_11, %dma_start3A_12] : memref<1000000x64xf32, #tpu.memory_space<hbm>> -> memref<1000000x64xf32, #tpu.memory_space<hbm>>
    tpu.enqueue_indirect_dma source(%dma_start3A_13 : memref<1000000x64xf32, #tpu.memory_space<hbm>>) target(%dma_start3A_7 : memref<128x64xf32, #tpu.memory_space<vmem>>) offsets(%dma_start3A_10 : memref<128xi32, #tpu.memory_space<vmem>>) semaphore(%arg11 : memref<!tpu.dma_semaphore, #tpu.memory_space<semaphore_mem>>)
    %dma_start3A_14 = arith.constant 1 : i32
    %dma_start3A_15 = arith.constant 128 : i32
    %dma_start3A_16 = arith.constant 0 : i32
    %dma_start3A_17 = tpu.memref_slice %arg9[%dma_start3A_15, %dma_start3A_16] : memref<512x64xf32, #tpu.memory_space<vmem>> -> memref<128x64xf32, #tpu.memory_space<vmem>>
    %dma_start3A_18 = arith.constant 0 : i32
    %dma_start3A_19 = tpu.memref_slice %arg7[%dma_start3A_14, %dma_start3A_18] : memref<4x128xi32, #tpu.memory_space<vmem>> -> memref<1x128xi32, #tpu.memory_space<vmem>>
    %dma_start3A_20 = tpu.memref_squeeze %dma_start3A_19 : memref<1x128xi32, #tpu.memory_space<vmem>> -> memref<128xi32, #tpu.memory_space<vmem>>
    %dma_start3A_21 = arith.constant 0 : i32
    %dma_start3A_22 = arith.constant 0 : i32
    %dma_start3A_23 = tpu.memref_slice %arg2[%dma_start3A_21, %dma_start3A_22] : memref<1000000x64xf32, #tpu.memory_space<hbm>> -> memref<1000000x64xf32, #tpu.memory_space<hbm>>
    tpu.enqueue_indirect_dma source(%dma_start3A_23 : memref<1000000x64xf32, #tpu.memory_space<hbm>>) target(%dma_start3A_17 : memref<128x64xf32, #tpu.memory_space<vmem>>) offsets(%dma_start3A_20 : memref<128xi32, #tpu.memory_space<vmem>>) semaphore(%arg11 : memref<!tpu.dma_semaphore, #tpu.memory_space<semaphore_mem>>)
    %dma_start3A_24 = arith.constant 2 : i32
    %dma_start3A_25 = arith.constant 256 : i32
    %dma_start3A_26 = arith.constant 0 : i32
    %dma_start3A_27 = tpu.memref_slice %arg9[%dma_start3A_25, %dma_start3A_26] : memref<512x64xf32, #tpu.memory_space<vmem>> -> memref<128x64xf32, #tpu.memory_space<vmem>>
    %dma_start3A_28 = arith.constant 0 : i32
    %dma_start3A_29 = tpu.memref_slice %arg7[%dma_start3A_24, %dma_start3A_28] : memref<4x128xi32, #tpu.memory_space<vmem>> -> memref<1x128xi32, #tpu.memory_space<vmem>>
    %dma_start3A_30 = tpu.memref_squeeze %dma_start3A_29 : memref<1x128xi32, #tpu.memory_space<vmem>> -> memref<128xi32, #tpu.memory_space<vmem>>
    %dma_start3A_31 = arith.constant 0 : i32
    %dma_start3A_32 = arith.constant 0 : i32
    %dma_start3A_33 = tpu.memref_slice %arg2[%dma_start3A_31, %dma_start3A_32] : memref<1000000x64xf32, #tpu.memory_space<hbm>> -> memref<1000000x64xf32, #tpu.memory_space<hbm>>
    tpu.enqueue_indirect_dma source(%dma_start3A_33 : memref<1000000x64xf32, #tpu.memory_space<hbm>>) target(%dma_start3A_27 : memref<128x64xf32, #tpu.memory_space<vmem>>) offsets(%dma_start3A_30 : memref<128xi32, #tpu.memory_space<vmem>>) semaphore(%arg11 : memref<!tpu.dma_semaphore, #tpu.memory_space<semaphore_mem>>)
    %dma_start3A_34 = arith.constant 3 : i32
    %dma_start3A_35 = arith.constant 384 : i32
    %dma_start3A_36 = arith.constant 0 : i32
    %dma_start3A_37 = tpu.memref_slice %arg9[%dma_start3A_35, %dma_start3A_36] : memref<512x64xf32, #tpu.memory_space<vmem>> -> memref<128x64xf32, #tpu.memory_space<vmem>>
    %dma_start3A_38 = arith.constant 0 : i32
    %dma_start3A_39 = tpu.memref_slice %arg7[%dma_start3A_34, %dma_start3A_38] : memref<4x128xi32, #tpu.memory_space<vmem>> -> memref<1x128xi32, #tpu.memory_space<vmem>>
    %dma_start3A_40 = tpu.memref_squeeze %dma_start3A_39 : memref<1x128xi32, #tpu.memory_space<vmem>> -> memref<128xi32, #tpu.memory_space<vmem>>
    %dma_start3A_41 = arith.constant 0 : i32
    %dma_start3A_42 = arith.constant 0 : i32
    %dma_start3A_43 = tpu.memref_slice %arg2[%dma_start3A_41, %dma_start3A_42] : memref<1000000x64xf32, #tpu.memory_space<hbm>> -> memref<1000000x64xf32, #tpu.memory_space<hbm>>
    tpu.enqueue_indirect_dma source(%dma_start3A_43 : memref<1000000x64xf32, #tpu.memory_space<hbm>>) target(%dma_start3A_37 : memref<128x64xf32, #tpu.memory_space<vmem>>) offsets(%dma_start3A_40 : memref<128xi32, #tpu.memory_space<vmem>>) semaphore(%arg11 : memref<!tpu.dma_semaphore, #tpu.memory_space<semaphore_mem>>)
    %dma_start3A_44 = arith.constant 0 : i32
    %dma_start3A_45 = arith.constant 0 : i32
    %dma_start3A_46 = arith.constant 0 : i32
    %dma_start3A_47 = tpu.memref_slice %arg10[%dma_start3A_45, %dma_start3A_46] : memref<512x64xf32, #tpu.memory_space<vmem>> -> memref<128x64xf32, #tpu.memory_space<vmem>>
    %dma_start3A_48 = arith.constant 0 : i32
    %dma_start3A_49 = tpu.memref_slice %arg8[%dma_start3A_44, %dma_start3A_48] : memref<4x128xi32, #tpu.memory_space<vmem>> -> memref<1x128xi32, #tpu.memory_space<vmem>>
    %dma_start3A_50 = tpu.memref_squeeze %dma_start3A_49 : memref<1x128xi32, #tpu.memory_space<vmem>> -> memref<128xi32, #tpu.memory_space<vmem>>
    %dma_start3A_51 = arith.constant 0 : i32
    %dma_start3A_52 = arith.constant 0 : i32
    %dma_start3A_53 = tpu.memref_slice %arg2[%dma_start3A_51, %dma_start3A_52] : memref<1000000x64xf32, #tpu.memory_space<hbm>> -> memref<1000000x64xf32, #tpu.memory_space<hbm>>
    tpu.enqueue_indirect_dma source(%dma_start3A_53 : memref<1000000x64xf32, #tpu.memory_space<hbm>>) target(%dma_start3A_47 : memref<128x64xf32, #tpu.memory_space<vmem>>) offsets(%dma_start3A_50 : memref<128xi32, #tpu.memory_space<vmem>>) semaphore(%arg12 : memref<!tpu.dma_semaphore, #tpu.memory_space<semaphore_mem>>)
    %dma_start3A_54 = arith.constant 1 : i32
    %dma_start3A_55 = arith.constant 128 : i32
    %dma_start3A_56 = arith.constant 0 : i32
    %dma_start3A_57 = tpu.memref_slice %arg10[%dma_start3A_55, %dma_start3A_56] : memref<512x64xf32, #tpu.memory_space<vmem>> -> memref<128x64xf32, #tpu.memory_space<vmem>>
    %dma_start3A_58 = arith.constant 0 : i32
    %dma_start3A_59 = tpu.memref_slice %arg8[%dma_start3A_54, %dma_start3A_58] : memref<4x128xi32, #tpu.memory_space<vmem>> -> memref<1x128xi32, #tpu.memory_space<vmem>>
    %dma_start3A_60 = tpu.memref_squeeze %dma_start3A_59 : memref<1x128xi32, #tpu.memory_space<vmem>> -> memref<128xi32, #tpu.memory_space<vmem>>
    %dma_start3A_61 = arith.constant 0 : i32
    %dma_start3A_62 = arith.constant 0 : i32
    %dma_start3A_63 = tpu.memref_slice %arg2[%dma_start3A_61, %dma_start3A_62] : memref<1000000x64xf32, #tpu.memory_space<hbm>> -> memref<1000000x64xf32, #tpu.memory_space<hbm>>
    tpu.enqueue_indirect_dma source(%dma_start3A_63 : memref<1000000x64xf32, #tpu.memory_space<hbm>>) target(%dma_start3A_57 : memref<128x64xf32, #tpu.memory_space<vmem>>) offsets(%dma_start3A_60 : memref<128xi32, #tpu.memory_space<vmem>>) semaphore(%arg12 : memref<!tpu.dma_semaphore, #tpu.memory_space<semaphore_mem>>)
    %dma_start3A_64 = arith.constant 2 : i32
    %dma_start3A_65 = arith.constant 256 : i32
    %dma_start3A_66 = arith.constant 0 : i32
    %dma_start3A_67 = tpu.memref_slice %arg10[%dma_start3A_65, %dma_start3A_66] : memref<512x64xf32, #tpu.memory_space<vmem>> -> memref<128x64xf32, #tpu.memory_space<vmem>>
    %dma_start3A_68 = arith.constant 0 : i32
    %dma_start3A_69 = tpu.memref_slice %arg8[%dma_start3A_64, %dma_start3A_68] : memref<4x128xi32, #tpu.memory_space<vmem>> -> memref<1x128xi32, #tpu.memory_space<vmem>>
    %dma_start3A_70 = tpu.memref_squeeze %dma_start3A_69 : memref<1x128xi32, #tpu.memory_space<vmem>> -> memref<128xi32, #tpu.memory_space<vmem>>
    %dma_start3A_71 = arith.constant 0 : i32
    %dma_start3A_72 = arith.constant 0 : i32
    %dma_start3A_73 = tpu.memref_slice %arg2[%dma_start3A_71, %dma_start3A_72] : memref<1000000x64xf32, #tpu.memory_space<hbm>> -> memref<1000000x64xf32, #tpu.memory_space<hbm>>
    tpu.enqueue_indirect_dma source(%dma_start3A_73 : memref<1000000x64xf32, #tpu.memory_space<hbm>>) target(%dma_start3A_67 : memref<128x64xf32, #tpu.memory_space<vmem>>) offsets(%dma_start3A_70 : memref<128xi32, #tpu.memory_space<vmem>>) semaphore(%arg12 : memref<!tpu.dma_semaphore, #tpu.memory_space<semaphore_mem>>)
    %dma_start3A_74 = arith.constant 3 : i32
    %dma_start3A_75 = arith.constant 384 : i32
    %dma_start3A_76 = arith.constant 0 : i32
    %dma_start3A_77 = tpu.memref_slice %arg10[%dma_start3A_75, %dma_start3A_76] : memref<512x64xf32, #tpu.memory_space<vmem>> -> memref<128x64xf32, #tpu.memory_space<vmem>>
    %dma_start3A_78 = arith.constant 0 : i32
    %dma_start3A_79 = tpu.memref_slice %arg8[%dma_start3A_74, %dma_start3A_78] : memref<4x128xi32, #tpu.memory_space<vmem>> -> memref<1x128xi32, #tpu.memory_space<vmem>>
    %dma_start3A_80 = tpu.memref_squeeze %dma_start3A_79 : memref<1x128xi32, #tpu.memory_space<vmem>> -> memref<128xi32, #tpu.memory_space<vmem>>
    %dma_start3A_81 = arith.constant 0 : i32
    %dma_start3A_82 = arith.constant 0 : i32
    %dma_start3A_83 = tpu.memref_slice %arg2[%dma_start3A_81, %dma_start3A_82] : memref<1000000x64xf32, #tpu.memory_space<hbm>> -> memref<1000000x64xf32, #tpu.memory_space<hbm>>
    tpu.enqueue_indirect_dma source(%dma_start3A_83 : memref<1000000x64xf32, #tpu.memory_space<hbm>>) target(%dma_start3A_77 : memref<128x64xf32, #tpu.memory_space<vmem>>) offsets(%dma_start3A_80 : memref<128xi32, #tpu.memory_space<vmem>>) semaphore(%arg12 : memref<!tpu.dma_semaphore, #tpu.memory_space<semaphore_mem>>)
    %dma_wait3A = arith.constant 0 : i32
    %dma_wait3A_84 = arith.constant 0 : i32
    %dma_wait3A_85 = arith.constant 0 : i32
    %dma_wait3A_86 = tpu.memref_slice %arg9[%dma_wait3A_84, %dma_wait3A_85] : memref<512x64xf32, #tpu.memory_space<vmem>> -> memref<128x64xf32, #tpu.memory_space<vmem>>
    %dma_wait3A_87 = arith.constant 0 : i32
    %dma_wait3A_88 = tpu.memref_slice %arg7[%dma_wait3A, %dma_wait3A_87] : memref<4x128xi32, #tpu.memory_space<vmem>> -> memref<1x128xi32, #tpu.memory_space<vmem>>
    %dma_wait3A_89 = tpu.memref_squeeze %dma_wait3A_88 : memref<1x128xi32, #tpu.memory_space<vmem>> -> memref<128xi32, #tpu.memory_space<vmem>>
    %dma_wait3A_90 = arith.constant 0 : i32
    %dma_wait3A_91 = arith.constant 0 : i32
    %dma_wait3A_92 = tpu.memref_slice %arg2[%dma_wait3A_90, %dma_wait3A_91] : memref<1000000x64xf32, #tpu.memory_space<hbm>> -> memref<1000000x64xf32, #tpu.memory_space<hbm>>
    tpu.wait_indirect_dma semaphore(%arg11 : memref<!tpu.dma_semaphore, #tpu.memory_space<semaphore_mem>>) src(%dma_wait3A_92 : memref<1000000x64xf32, #tpu.memory_space<hbm>>) dst(%dma_wait3A_86 : memref<128x64xf32, #tpu.memory_space<vmem>>)
    %dma_wait3A_93 = arith.constant 1 : i32
    %dma_wait3A_94 = arith.constant 128 : i32
    %dma_wait3A_95 = arith.constant 0 : i32
    %dma_wait3A_96 = tpu.memref_slice %arg9[%dma_wait3A_94, %dma_wait3A_95] : memref<512x64xf32, #tpu.memory_space<vmem>> -> memref<128x64xf32, #tpu.memory_space<vmem>>
    %dma_wait3A_97 = arith.constant 0 : i32
    %dma_wait3A_98 = tpu.memref_slice %arg7[%dma_wait3A_93, %dma_wait3A_97] : memref<4x128xi32, #tpu.memory_space<vmem>> -> memref<1x128xi32, #tpu.memory_space<vmem>>
    %dma_wait3A_99 = tpu.memref_squeeze %dma_wait3A_98 : memref<1x128xi32, #tpu.memory_space<vmem>> -> memref<128xi32, #tpu.memory_space<vmem>>
    %dma_wait3A_100 = arith.constant 0 : i32
    %dma_wait3A_101 = arith.constant 0 : i32
    %dma_wait3A_102 = tpu.memref_slice %arg2[%dma_wait3A_100, %dma_wait3A_101] : memref<1000000x64xf32, #tpu.memory_space<hbm>> -> memref<1000000x64xf32, #tpu.memory_space<hbm>>
    tpu.wait_indirect_dma semaphore(%arg11 : memref<!tpu.dma_semaphore, #tpu.memory_space<semaphore_mem>>) src(%dma_wait3A_102 : memref<1000000x64xf32, #tpu.memory_space<hbm>>) dst(%dma_wait3A_96 : memref<128x64xf32, #tpu.memory_space<vmem>>)
    %dma_wait3A_103 = arith.constant 2 : i32
    %dma_wait3A_104 = arith.constant 256 : i32
    %dma_wait3A_105 = arith.constant 0 : i32
    %dma_wait3A_106 = tpu.memref_slice %arg9[%dma_wait3A_104, %dma_wait3A_105] : memref<512x64xf32, #tpu.memory_space<vmem>> -> memref<128x64xf32, #tpu.memory_space<vmem>>
    %dma_wait3A_107 = arith.constant 0 : i32
    %dma_wait3A_108 = tpu.memref_slice %arg7[%dma_wait3A_103, %dma_wait3A_107] : memref<4x128xi32, #tpu.memory_space<vmem>> -> memref<1x128xi32, #tpu.memory_space<vmem>>
    %dma_wait3A_109 = tpu.memref_squeeze %dma_wait3A_108 : memref<1x128xi32, #tpu.memory_space<vmem>> -> memref<128xi32, #tpu.memory_space<vmem>>
    %dma_wait3A_110 = arith.constant 0 : i32
    %dma_wait3A_111 = arith.constant 0 : i32
    %dma_wait3A_112 = tpu.memref_slice %arg2[%dma_wait3A_110, %dma_wait3A_111] : memref<1000000x64xf32, #tpu.memory_space<hbm>> -> memref<1000000x64xf32, #tpu.memory_space<hbm>>
    tpu.wait_indirect_dma semaphore(%arg11 : memref<!tpu.dma_semaphore, #tpu.memory_space<semaphore_mem>>) src(%dma_wait3A_112 : memref<1000000x64xf32, #tpu.memory_space<hbm>>) dst(%dma_wait3A_106 : memref<128x64xf32, #tpu.memory_space<vmem>>)
    %dma_wait3A_113 = arith.constant 3 : i32
    %dma_wait3A_114 = arith.constant 384 : i32
    %dma_wait3A_115 = arith.constant 0 : i32
    %dma_wait3A_116 = tpu.memref_slice %arg9[%dma_wait3A_114, %dma_wait3A_115] : memref<512x64xf32, #tpu.memory_space<vmem>> -> memref<128x64xf32, #tpu.memory_space<vmem>>
    %dma_wait3A_117 = arith.constant 0 : i32
    %dma_wait3A_118 = tpu.memref_slice %arg7[%dma_wait3A_113, %dma_wait3A_117] : memref<4x128xi32, #tpu.memory_space<vmem>> -> memref<1x128xi32, #tpu.memory_space<vmem>>
    %dma_wait3A_119 = tpu.memref_squeeze %dma_wait3A_118 : memref<1x128xi32, #tpu.memory_space<vmem>> -> memref<128xi32, #tpu.memory_space<vmem>>
    %dma_wait3A_120 = arith.constant 0 : i32
    %dma_wait3A_121 = arith.constant 0 : i32
    %dma_wait3A_122 = tpu.memref_slice %arg2[%dma_wait3A_120, %dma_wait3A_121] : memref<1000000x64xf32, #tpu.memory_space<hbm>> -> memref<1000000x64xf32, #tpu.memory_space<hbm>>
    tpu.wait_indirect_dma semaphore(%arg11 : memref<!tpu.dma_semaphore, #tpu.memory_space<semaphore_mem>>) src(%dma_wait3A_122 : memref<1000000x64xf32, #tpu.memory_space<hbm>>) dst(%dma_wait3A_116 : memref<128x64xf32, #tpu.memory_space<vmem>>)
    %dma_wait3A_123 = arith.constant 0 : i32
    %dma_wait3A_124 = arith.constant 0 : i32
    %dma_wait3A_125 = arith.constant 0 : i32
    %dma_wait3A_126 = tpu.memref_slice %arg10[%dma_wait3A_124, %dma_wait3A_125] : memref<512x64xf32, #tpu.memory_space<vmem>> -> memref<128x64xf32, #tpu.memory_space<vmem>>
    %dma_wait3A_127 = arith.constant 0 : i32
    %dma_wait3A_128 = tpu.memref_slice %arg8[%dma_wait3A_123, %dma_wait3A_127] : memref<4x128xi32, #tpu.memory_space<vmem>> -> memref<1x128xi32, #tpu.memory_space<vmem>>
    %dma_wait3A_129 = tpu.memref_squeeze %dma_wait3A_128 : memref<1x128xi32, #tpu.memory_space<vmem>> -> memref<128xi32, #tpu.memory_space<vmem>>
    %dma_wait3A_130 = arith.constant 0 : i32
    %dma_wait3A_131 = arith.constant 0 : i32
    %dma_wait3A_132 = tpu.memref_slice %arg2[%dma_wait3A_130, %dma_wait3A_131] : memref<1000000x64xf32, #tpu.memory_space<hbm>> -> memref<1000000x64xf32, #tpu.memory_space<hbm>>
    tpu.wait_indirect_dma semaphore(%arg12 : memref<!tpu.dma_semaphore, #tpu.memory_space<semaphore_mem>>) src(%dma_wait3A_132 : memref<1000000x64xf32, #tpu.memory_space<hbm>>) dst(%dma_wait3A_126 : memref<128x64xf32, #tpu.memory_space<vmem>>)
    %dma_wait3A_133 = arith.constant 1 : i32
    %dma_wait3A_134 = arith.constant 128 : i32
    %dma_wait3A_135 = arith.constant 0 : i32
    %dma_wait3A_136 = tpu.memref_slice %arg10[%dma_wait3A_134, %dma_wait3A_135] : memref<512x64xf32, #tpu.memory_space<vmem>> -> memref<128x64xf32, #tpu.memory_space<vmem>>
    %dma_wait3A_137 = arith.constant 0 : i32
    %dma_wait3A_138 = tpu.memref_slice %arg8[%dma_wait3A_133, %dma_wait3A_137] : memref<4x128xi32, #tpu.memory_space<vmem>> -> memref<1x128xi32, #tpu.memory_space<vmem>>
    %dma_wait3A_139 = tpu.memref_squeeze %dma_wait3A_138 : memref<1x128xi32, #tpu.memory_space<vmem>> -> memref<128xi32, #tpu.memory_space<vmem>>
    %dma_wait3A_140 = arith.constant 0 : i32
    %dma_wait3A_141 = arith.constant 0 : i32
    %dma_wait3A_142 = tpu.memref_slice %arg2[%dma_wait3A_140, %dma_wait3A_141] : memref<1000000x64xf32, #tpu.memory_space<hbm>> -> memref<1000000x64xf32, #tpu.memory_space<hbm>>
    tpu.wait_indirect_dma semaphore(%arg12 : memref<!tpu.dma_semaphore, #tpu.memory_space<semaphore_mem>>) src(%dma_wait3A_142 : memref<1000000x64xf32, #tpu.memory_space<hbm>>) dst(%dma_wait3A_136 : memref<128x64xf32, #tpu.memory_space<vmem>>)
    %dma_wait3A_143 = arith.constant 2 : i32
    %dma_wait3A_144 = arith.constant 256 : i32
    %dma_wait3A_145 = arith.constant 0 : i32
    %dma_wait3A_146 = tpu.memref_slice %arg10[%dma_wait3A_144, %dma_wait3A_145] : memref<512x64xf32, #tpu.memory_space<vmem>> -> memref<128x64xf32, #tpu.memory_space<vmem>>
    %dma_wait3A_147 = arith.constant 0 : i32
    %dma_wait3A_148 = tpu.memref_slice %arg8[%dma_wait3A_143, %dma_wait3A_147] : memref<4x128xi32, #tpu.memory_space<vmem>> -> memref<1x128xi32, #tpu.memory_space<vmem>>
    %dma_wait3A_149 = tpu.memref_squeeze %dma_wait3A_148 : memref<1x128xi32, #tpu.memory_space<vmem>> -> memref<128xi32, #tpu.memory_space<vmem>>
    %dma_wait3A_150 = arith.constant 0 : i32
    %dma_wait3A_151 = arith.constant 0 : i32
    %dma_wait3A_152 = tpu.memref_slice %arg2[%dma_wait3A_150, %dma_wait3A_151] : memref<1000000x64xf32, #tpu.memory_space<hbm>> -> memref<1000000x64xf32, #tpu.memory_space<hbm>>
    tpu.wait_indirect_dma semaphore(%arg12 : memref<!tpu.dma_semaphore, #tpu.memory_space<semaphore_mem>>) src(%dma_wait3A_152 : memref<1000000x64xf32, #tpu.memory_space<hbm>>) dst(%dma_wait3A_146 : memref<128x64xf32, #tpu.memory_space<vmem>>)
    %dma_wait3A_153 = arith.constant 3 : i32
    %dma_wait3A_154 = arith.constant 384 : i32
    %dma_wait3A_155 = arith.constant 0 : i32
    %dma_wait3A_156 = tpu.memref_slice %arg10[%dma_wait3A_154, %dma_wait3A_155] : memref<512x64xf32, #tpu.memory_space<vmem>> -> memref<128x64xf32, #tpu.memory_space<vmem>>
    %dma_wait3A_157 = arith.constant 0 : i32
    %dma_wait3A_158 = tpu.memref_slice %arg8[%dma_wait3A_153, %dma_wait3A_157] : memref<4x128xi32, #tpu.memory_space<vmem>> -> memref<1x128xi32, #tpu.memory_space<vmem>>
    %dma_wait3A_159 = tpu.memref_squeeze %dma_wait3A_158 : memref<1x128xi32, #tpu.memory_space<vmem>> -> memref<128xi32, #tpu.memory_space<vmem>>
    %dma_wait3A_160 = arith.constant 0 : i32
    %dma_wait3A_161 = arith.constant 0 : i32
    %dma_wait3A_162 = tpu.memref_slice %arg2[%dma_wait3A_160, %dma_wait3A_161] : memref<1000000x64xf32, #tpu.memory_space<hbm>> -> memref<1000000x64xf32, #tpu.memory_space<hbm>>
    tpu.wait_indirect_dma semaphore(%arg12 : memref<!tpu.dma_semaphore, #tpu.memory_space<semaphore_mem>>) src(%dma_wait3A_162 : memref<1000000x64xf32, #tpu.memory_space<hbm>>) dst(%dma_wait3A_156 : memref<128x64xf32, #tpu.memory_space<vmem>>)
    "tpu.region"() ({
      %run_scoped3A = tpu.sem_alloc : memref<!tpu.dma_semaphore, #tpu.memory_space<semaphore_mem>>
      %dma_start3A_163 = arith.constant 0 : i32
      %dma_start3A_164 = tpu.memref_slice %arg5[%mul3A_2, %dma_start3A_163] : memref<16384x64xf32, #tpu.memory_space<hbm>> -> memref<512x64xf32, #tpu.memory_space<hbm>>
      %dma_start3A_165 = arith.constant 0 : i32
      %dma_start3A_166 = tpu.memref_slice %arg5[%mul3A_2, %dma_start3A_165] : memref<16384x64xf32, #tpu.memory_space<hbm>> -> memref<512x64xf32, #tpu.memory_space<hbm>>
      tpu.enqueue_dma source(%arg9 : memref<512x64xf32, #tpu.memory_space<vmem>>) target(%dma_start3A_166 : memref<512x64xf32, #tpu.memory_space<hbm>>) target_semaphore(%run_scoped3A : memref<!tpu.dma_semaphore, #tpu.memory_space<semaphore_mem>>)
      %dma_wait3A_167 = arith.constant 0 : i32
      %dma_wait3A_168 = tpu.memref_slice %arg5[%mul3A_2, %dma_wait3A_167] : memref<16384x64xf32, #tpu.memory_space<hbm>> -> memref<512x64xf32, #tpu.memory_space<hbm>>
      %dma_wait3A_169 = arith.constant 0 : i32
      %dma_wait3A_170 = tpu.memref_slice %arg5[%mul3A_2, %dma_wait3A_169] : memref<16384x64xf32, #tpu.memory_space<hbm>> -> memref<512x64xf32, #tpu.memory_space<hbm>>
      tpu.wait_dma2 semaphore(%run_scoped3A : memref<!tpu.dma_semaphore, #tpu.memory_space<semaphore_mem>>) src(%arg9 : memref<512x64xf32, #tpu.memory_space<vmem>>) dst(%dma_wait3A_170 : memref<512x64xf32, #tpu.memory_space<hbm>>)
      tpu.yield
    }) : () -> ()
    "tpu.region"() ({
      %run_scoped3A = tpu.sem_alloc : memref<!tpu.dma_semaphore, #tpu.memory_space<semaphore_mem>>
      %dma_start3A_163 = arith.constant 0 : i32
      %dma_start3A_164 = tpu.memref_slice %arg6[%mul3A_2, %dma_start3A_163] : memref<16384x64xf32, #tpu.memory_space<hbm>> -> memref<512x64xf32, #tpu.memory_space<hbm>>
      %dma_start3A_165 = arith.constant 0 : i32
      %dma_start3A_166 = tpu.memref_slice %arg6[%mul3A_2, %dma_start3A_165] : memref<16384x64xf32, #tpu.memory_space<hbm>> -> memref<512x64xf32, #tpu.memory_space<hbm>>
      tpu.enqueue_dma source(%arg10 : memref<512x64xf32, #tpu.memory_space<vmem>>) target(%dma_start3A_166 : memref<512x64xf32, #tpu.memory_space<hbm>>) target_semaphore(%run_scoped3A : memref<!tpu.dma_semaphore, #tpu.memory_space<semaphore_mem>>)
      %dma_wait3A_167 = arith.constant 0 : i32
      %dma_wait3A_168 = tpu.memref_slice %arg6[%mul3A_2, %dma_wait3A_167] : memref<16384x64xf32, #tpu.memory_space<hbm>> -> memref<512x64xf32, #tpu.memory_space<hbm>>
      %dma_wait3A_169 = arith.constant 0 : i32
      %dma_wait3A_170 = tpu.memref_slice %arg6[%mul3A_2, %dma_wait3A_169] : memref<16384x64xf32, #tpu.memory_space<hbm>> -> memref<512x64xf32, #tpu.memory_space<hbm>>
      tpu.wait_dma2 semaphore(%run_scoped3A : memref<!tpu.dma_semaphore, #tpu.memory_space<semaphore_mem>>) src(%arg10 : memref<512x64xf32, #tpu.memory_space<vmem>>) dst(%dma_wait3A_170 : memref<512x64xf32, #tpu.memory_space<hbm>>)
      tpu.yield
    }) : () -> ()
    return
  }
}

module attributes {stable_mosaic.version = 14 : i64} {
  func.func @_mlp_body(%arg0: i32, %arg1: memref<2048x64xf32, #tpu.memory_space<vmem>>, %arg2: memref<2048x64xf32, #tpu.memory_space<vmem>>, %arg3: memref<64x64xf32, #tpu.memory_space<vmem>>, %arg4: memref<64x64xf32, #tpu.memory_space<vmem>>, %arg5: memref<1x64xf32, #tpu.memory_space<vmem>>, %arg6: memref<64x2xf32, #tpu.memory_space<vmem>>, %arg7: memref<1x2xf32, #tpu.memory_space<vmem>>, %arg8: memref<2048x2xf32, #tpu.memory_space<vmem>>) attributes {dimension_semantics = [#tpu.dimension_semantics<arbitrary>], iteration_bounds = array<i64: 8>, scalar_prefetch = 0 : i64, scratch_operands = 0 : i64, tpu.core_type = #tpu.core_type<tc>, window_params = [{transform_indices = @transform_0, window_bounds = array<i64: 2048, 64>}, {transform_indices = @transform_1, window_bounds = array<i64: 2048, 64>}, {pipeline_mode = #tpu.pipeline_mode<synchronous>, transform_indices = @transform_2, window_bounds = array<i64: 64, 64>}, {pipeline_mode = #tpu.pipeline_mode<synchronous>, transform_indices = @transform_3, window_bounds = array<i64: 64, 64>}, {pipeline_mode = #tpu.pipeline_mode<synchronous>, transform_indices = @transform_4, window_bounds = array<i64: 1, 64>}, {pipeline_mode = #tpu.pipeline_mode<synchronous>, transform_indices = @transform_5, window_bounds = array<i64: 64, 2>}, {pipeline_mode = #tpu.pipeline_mode<synchronous>, transform_indices = @transform_6, window_bounds = array<i64: 1, 2>}, {transform_indices = @transform_7, window_bounds = array<i64: 2048, 2>}]} {
    %get3A = arith.constant 0 : index
    %get3A_0 = arith.constant 0 : index
    %get3A_1 = vector.load %arg1[%get3A, %get3A_0] : memref<2048x64xf32, #tpu.memory_space<vmem>>, vector<2048x64xf32>
    %get3A_2 = arith.constant 0 : index
    %get3A_3 = arith.constant 0 : index
    %get3A_4 = vector.load %arg3[%get3A_2, %get3A_3] : memref<64x64xf32, #tpu.memory_space<vmem>>, vector<64x64xf32>
    %dot_general3A = arith.constant dense<0.000000e+00> : vector<2048x64xf32>
    %dot_general3A_5 = tpu.matmul %get3A_1, %get3A_4, %dot_general3A {dimension_numbers = #tpu.dot_dimension_numbers<[1], [0], [0], [1], [0, 0, 1, 1], [], []>, transpose_lhs_hint = false} : vector<2048x64xf32>, vector<64x64xf32>, vector<2048x64xf32> -> vector<2048x64xf32>
    %get3A_6 = arith.constant 0 : index
    %get3A_7 = arith.constant 0 : index
    %get3A_8 = vector.load %arg2[%get3A_6, %get3A_7] : memref<2048x64xf32, #tpu.memory_space<vmem>>, vector<2048x64xf32>
    %get3A_9 = arith.constant 0 : index
    %get3A_10 = arith.constant 0 : index
    %get3A_11 = vector.load %arg4[%get3A_9, %get3A_10] : memref<64x64xf32, #tpu.memory_space<vmem>>, vector<64x64xf32>
    %dot_general3A_12 = arith.constant dense<0.000000e+00> : vector<2048x64xf32>
    %dot_general3A_13 = tpu.matmul %get3A_8, %get3A_11, %dot_general3A_12 {dimension_numbers = #tpu.dot_dimension_numbers<[1], [0], [0], [1], [0, 0, 1, 1], [], []>, transpose_lhs_hint = false} : vector<2048x64xf32>, vector<64x64xf32>, vector<2048x64xf32> -> vector<2048x64xf32>
    %add3A = arith.addf %dot_general3A_5, %dot_general3A_13 : vector<2048x64xf32>
    %get3A_14 = arith.constant 0 : index
    %get3A_15 = arith.constant 0 : index
    %get3A_16 = vector.load %arg5[%get3A_14, %get3A_15] : memref<1x64xf32, #tpu.memory_space<vmem>>, vector<1x64xf32>
    %add3A_17 = vector.broadcast %get3A_16 : vector<1x64xf32> to vector<2048x64xf32>
    %add3A_18 = arith.addf %add3A, %add3A_17 : vector<2048x64xf32>
    %max3A = arith.constant 0.000000e+00 : f32
    %max3A_19 = vector.broadcast %max3A : f32 to vector<2048x64xf32>
    %max3A_20 = arith.maximumf %add3A_18, %max3A_19 : vector<2048x64xf32>
    %get3A_21 = arith.constant 0 : index
    %get3A_22 = arith.constant 0 : index
    %get3A_23 = vector.load %arg6[%get3A_21, %get3A_22] : memref<64x2xf32, #tpu.memory_space<vmem>>, vector<64x2xf32>
    %dot_general3A_24 = arith.constant dense<0.000000e+00> : vector<2048x2xf32>
    %dot_general3A_25 = tpu.matmul %max3A_20, %get3A_23, %dot_general3A_24 {dimension_numbers = #tpu.dot_dimension_numbers<[1], [0], [0], [1], [0, 0, 1, 1], [], []>, transpose_lhs_hint = false} : vector<2048x64xf32>, vector<64x2xf32>, vector<2048x2xf32> -> vector<2048x2xf32>
    %get3A_26 = arith.constant 0 : index
    %get3A_27 = arith.constant 0 : index
    %get3A_28 = vector.load %arg7[%get3A_26, %get3A_27] : memref<1x2xf32, #tpu.memory_space<vmem>>, vector<1x2xf32>
    %add3A_29 = vector.broadcast %get3A_28 : vector<1x2xf32> to vector<2048x2xf32>
    %add3A_30 = arith.addf %dot_general3A_25, %add3A_29 : vector<2048x2xf32>
    %swap3A = arith.constant 0 : index
    %swap3A_31 = arith.constant 0 : index
    %swap3A_32 = vector.load %arg8[%swap3A, %swap3A_31] : memref<2048x2xf32, #tpu.memory_space<vmem>>, vector<2048x2xf32>
    tpu.vector_store %arg8[%swap3A, %swap3A_31], %add3A_30 {strides = array<i32>} : memref<2048x2xf32, #tpu.memory_space<vmem>>, vector<2048x2xf32>,
    return
  }
  func.func @transform_0(%arg0: i32) -> (i32, i32) {
    %c0_i32 = arith.constant 0 : i32
    %c0_i32_0 = arith.constant 0 : i32
    return %arg0, %c0_i32 : i32, i32
  }
  func.func @transform_1(%arg0: i32) -> (i32, i32) {
    %c0_i32 = arith.constant 0 : i32
    %c0_i32_0 = arith.constant 0 : i32
    return %arg0, %c0_i32 : i32, i32
  }
  func.func @transform_2(%arg0: i32) -> (i32, i32) {
    %c0_i32 = arith.constant 0 : i32
    %c0_i32_0 = arith.constant 0 : i32
    %c0_i32_1 = arith.constant 0 : i32
    return %c0_i32, %c0_i32_0 : i32, i32
  }
  func.func @transform_3(%arg0: i32) -> (i32, i32) {
    %c0_i32 = arith.constant 0 : i32
    %c0_i32_0 = arith.constant 0 : i32
    %c0_i32_1 = arith.constant 0 : i32
    return %c0_i32, %c0_i32_0 : i32, i32
  }
  func.func @transform_4(%arg0: i32) -> (i32, i32) {
    %c0_i32 = arith.constant 0 : i32
    %c0_i32_0 = arith.constant 0 : i32
    %c0_i32_1 = arith.constant 0 : i32
    return %c0_i32, %c0_i32_0 : i32, i32
  }
  func.func @transform_5(%arg0: i32) -> (i32, i32) {
    %c0_i32 = arith.constant 0 : i32
    %c0_i32_0 = arith.constant 0 : i32
    %c0_i32_1 = arith.constant 0 : i32
    return %c0_i32, %c0_i32_0 : i32, i32
  }
  func.func @transform_6(%arg0: i32) -> (i32, i32) {
    %c0_i32 = arith.constant 0 : i32
    %c0_i32_0 = arith.constant 0 : i32
    %c0_i32_1 = arith.constant 0 : i32
    return %c0_i32, %c0_i32_0 : i32, i32
  }
  func.func @transform_7(%arg0: i32) -> (i32, i32) {
    %c0_i32 = arith.constant 0 : i32
    %c0_i32_0 = arith.constant 0 : i32
    return %arg0, %c0_i32 : i32, i32
  }
}

</mosaic_0001>

<sc_bundles>
// kernel: kernel.4.cloned.1.call-start
scs
__scs_entry_jumppad:
0x0: {  	(pc) =	sbr.rel $0x88, $3  }
0x1: {  	(tag) =	ssettag $0x0;
	lr =	simm.s32 $0x1  }
0x2: {  	[smem:$0x3F9A] =	sst lr;
	_ =	strace $0xD0000000  }
0x3: {  	_ = 	snop  }
0x4: {  	_ = 	snop  }
0x5: {  	_ = 	snop  }
0x6: {  	_ = 	snop  }
0x7: {  	_ = 	snop  }
__scs_overlays_trampoline_lowered:
0x8: {  	[smem:$0x3FA9] =	sst s0  }
0x9: {  	[smem:$0x3FAA] =	sst s1  }
0xa: {  	[smem:$0x3FAB] =	sst s2  }
0xb: {  	[smem:$0x3FAC] =	sst s3  }
0xc: {  	[smem:$0x3FAD] =	sst s4  }
0xd: {  	[smem:$0x3FAE] =	sst s5  }
0xe: {  	[smem:$0x3FAF] =	sst s6  }
0xf: {  	[smem:$0x3FB0] =	sst s7  }
0x10: {  	[smem:$0x3FB1] =	sst s8  }
0x11: {  	[smem:$0x3FB2] =	sst s9;
	s0 =	simm.s32 @!p0 $0x0  }
0x12: {  	s1 =	sld [smem:$0x3F98];
	s0 =	simm.s32 @p0 $0x1  }
0x13: {  	[smem:$0x3FB3] =	sst s0;
	s0 =	simm.s32 @!p1 $0x0  }
0x14: {  	s2 =	sld [smem:$0x3F97];
	s0 =	simm.s32 @p1 $0x1  }
0x15: {  	[smem:$0x3FB4] =	sst s0;
	s0 =	simm.s32 @!p2 $0x0  }
0x16: {  	s3 =	sld [smem:$0x3FDB];
	s0 =	simm.s32 @p2 $0x1  }
0x17: {  	s4 =	simm.s32 $0x1BF5;
	[smem:$0x3FB6] =	sst s0  }
0x18: {  	s0 =	sld [smem:$0x3F99];
	_ =	swait.ge [sflag:s4], $0x0  }
0x19: {  	s7 =	sld [smem:$0x3F9A]  }
0x1a: {  	s8 =	sadd.s32 $0xFFFFE003, lr  }
0x1b: {  	s9 =	sadd.s32 $0xFFFFFEF7, lr;
	s5 =	simm.s32 $0xFFFFFFFF;
	p2 =	slt.u32 s8, $0xFFFFF086  }
0x1c: {  	p1 =	slt.u32 s9, $0xF7A;
	s5 =	simm.s32 @!p2 $0x0  }
0x1d: {  	s5 =	simm.s32 @p1 $0x1;
	p0 =	seq.s32 s7, s2  }
0x1e: {  	s7 =	smul.u32 @!p0 $0xF7A, s2;
	p2 =	seq.s32 @!p0 s5, $0x0  }
0x1f: {  	s9 =	smul.u32 $0xF7A, s1;
	s8 =	simm.s32 @!p0 $0x1BF5;
	p2 =	por !p2, p0  }
0x20: {  	[sflag:s8] =	ssyncset.s32 @!p0 $0xFFFFF086;
	s6 =	sadd.s32 @!p0 s3, s7;
	s7 =	simm.s32 @!p0 $0x108  }
0x21: {  	s3 =	sadd.s32 s3, s9;
	s6 =	sadd.s32 @!p0 $0x88, s6;
	s7 =	simm.s32 @p2 $0x1082  }
0x22: {  	[simem:s7], [sflag:s8] =	dma.local @!p0 [hbm:s6], $0xF7A  }
0x23: {  	s9 =	sor.u32 $0xD0000000, s2;
	s6 =	simm.s32 $0x108;
	_ =	swait.ge @!p0 [sflag:s8], $0x0  }
0x24: {  	s3 =	sadd.s32 $0x88, s3;
	s6 =	simm.s32 @!p1 $0x1082;
	[sflag:s4] =	ssyncset.s32 $0xFFFFF086  }
0x25: {  	[simem:s6], [sflag:s4] =	dma.local [hbm:s3], $0xF7A  }
0x26: {  	[smem:$0x3F9A] =	sst s1;
	(tag) =	ssettag s2;
	_ =	strace s9  }
0x27: {  	s1 =	sld [smem:$0x3FAA]  }
0x28: {  	s2 =	sld [smem:$0x3FAB]  }
0x29: {  	s4 =	sld [smem:$0x3FAD]  }
0x2a: {  	p0 =	seq.s32 s5, $0x0;
	s5 =	sld [smem:$0x3FAE]  }
0x2b: {  	s6 =	sld [smem:$0x3FAF]  }
0x2c: {  	s7 =	sld [smem:$0x3FB0]  }
0x2d: {  	s3 =	simm.s32 $0x108;
	s8 =	sld [smem:$0x3FB1]  }
0x2e: {  	s3 =	simm.s32 @!p0 $0x1082;
	s9 =	sld [smem:$0x3FB2]  }
0x2f: {  	lr =	sadd.s32 s0, s3;
	s0 =	sld [smem:$0x3FA9]  }
0x30: {  	s3 =	sld [smem:$0x3FAC]  }
0x31: {  	[smem:$0x3FB5] =	sst s10  }
0x32: {  	s10 =	sld [smem:$0x3FB3];
	_ =	sdelay $0x3  }
0x33: {  	p0 =	seq.s32 s10, $0x1;
	s10 =	sld [smem:$0x3FB5];
	_ =	sdelay $0x3  }
0x34: {  	[smem:$0x3FB5] =	sst s10  }
0x35: {  	s10 =	sld [smem:$0x3FB4];
	_ =	sdelay $0x3  }
0x36: {  	p1 =	seq.s32 s10, $0x1;
	s10 =	sld [smem:$0x3FB5];
	_ =	sdelay $0x3  }
0x37: {  	[smem:$0x3FB5] =	sst s10  }
0x38: {  	s10 =	sld [smem:$0x3FB6]  }
0x39: {  	_ = 	snop;
	(pc) =	sbr.ind lr, $3  }
0x3a: {  	_ = 	snop  }
0x3b: {  	_ = 	snop  }
0x3c: {  	p2 =	seq.s32 s10, $0x1;
	s10 =	sld [smem:$0x3FB5]  }
0x3d: {  	_ =	shalt  }
0x3e: {  	_ =	shalt  }
0x3f: {  	_ =	shalt  }
0x40: {  	_ =	shalt  }
0x41: {  	_ =	shalt  }
0x42: {  	_ =	shalt  }
0x43: {  	_ =	shalt  }
0x44: {  	_ =	shalt  }
0x45: {  	_ =	shalt  }
0x46: {  	_ =	shalt  }
0x47: {  	_ =	shalt  }
0x48: {  	_ =	shalt  }
0x49: {  	_ =	shalt  }
0x4a: {  	_ =	shalt  }
0x4b: {  	_ =	shalt  }
0x4c: {  	_ =	shalt  }
0x4d: {  	_ =	shalt  }
0x4e: {  	_ =	shalt  }
0x4f: {  	_ =	shalt  }
0x50: {  	_ =	shalt  }
0x51: {  	_ =	shalt  }
0x52: {  	_ =	shalt  }
0x53: {  	_ =	shalt  }
0x54: {  	_ =	shalt  }
0x55: {  	_ =	shalt  }
0x56: {  	_ =	shalt  }
0x57: {  	_ =	shalt  }
0x58: {  	_ =	shalt  }
0x59: {  	_ =	shalt  }
0x5a: {  	_ =	shalt  }
0x5b: {  	_ =	shalt  }
0x5c: {  	_ =	shalt  }
0x5d: {  	_ =	shalt  }
0x5e: {  	_ =	shalt  }
0x5f: {  	_ =	shalt  }
0x60: {  	_ =	shalt  }
0x61: {  	_ =	shalt  }
0x62: {  	_ =	shalt  }
0x63: {  	_ =	shalt  }
0x64: {  	_ =	shalt  }
0x65: {  	_ =	shalt  }
0x66: {  	_ =	shalt  }
0x67: {  	_ =	shalt  }
0x68: {  	_ =	shalt  }
0x69: {  	_ =	shalt  }
0x6a: {  	_ =	shalt  }
0x6b: {  	_ =	shalt  }
0x6c: {  	_ =	shalt  }
0x6d: {  	_ =	shalt  }
0x6e: {  	_ =	shalt  }
0x6f: {  	_ =	shalt  }
0x70: {  	_ =	shalt  }
0x71: {  	_ =	shalt  }
0x72: {  	_ =	shalt  }
0x73: {  	_ =	shalt  }
0x74: {  	_ =	shalt  }
0x75: {  	_ =	shalt  }
0x76: {  	_ =	shalt  }
0x77: {  	_ =	shalt  }
0x78: {  	_ =	shalt  }
0x79: {  	_ =	shalt  }
0x7a: {  	_ =	shalt  }
0x7b: {  	_ =	shalt  }
0x7c: {  	_ =	shalt  }
0x7d: {  	_ =	shalt  }
0x7e: {  	_ =	shalt  }
0x7f: {  	_ =	shalt  }
0x80: {  	_ =	shalt  }
0x81: {  	_ =	shalt  }
0x82: {  	_ =	shalt  }
0x83: {  	_ =	shalt  }
0x84: {  	_ =	shalt  }
0x85: {  	_ =	shalt  }
0x86: {  	_ =	shalt  }
0x87: {  	_ =	shalt  }
.Lfunc_end0:
.L_simem_size_0:
called_computation_lowered:
.L_overlay_start_0:
0x88: {  	s2 =	sld [smem:$0x3FD9]  }
0x89: {  	s3 =	sld [smem:$0x3FFE];
	_ =	sdelay $0x1  }
0x8a: {  	s1 =	srdreg.scid  }
0x8b: {  	s0 =	sand.u32 $0x1, s1  }
0x8c: {  	s17 =	sshll.u32 s0, $0xA;
	s2 =	sadd.s32 s3, s2  }
0x8d: {  	s2 =	sadd.s32 s2, s17  }
0x8e: {  	[smem:$0x3FC1] =	sst s2  }
0x8f: {  	_ = 	snop  }
0x90: {  	s2 =	sld [smem:$0x3FC9]  }
0x91: {  	s18 =	sld [smem:$0x3FC8];
	(tm) =	ssettm $0x1  }
0x92: {  	s4 =	sld [smem:$0x3FFB];
	_ =	sdelay $0x3  }
0x93: {  	_ =	strace s4  }
0x94: {  	s4 =	sld [smem:$0x3FFC];
	_ =	sdelay $0x3  }
0x95: {  	_ =	strace s4  }
0x96: {  	s4 =	sld [smem:$0x3FFD];
	_ =	sdelay $0x3  }
0x97: {  	_ =	strace s4  }
0x98: {  	_ =	strace $0x8FFFFFFF  }
0x99: {  	s19 =	sld [smem:$0x3FDB];
	_ =	sdelay $0x1  }
0x9a: {  	s5 =	simm.s32 $_scs_section_size  }
0x9b: {  	s6 =	simm.s32 $_size__tile_overlayer_lowered;
	s7 =	simm.s32 $_tile_overlayer_lowered  }
0x9c: {  	s22 =	simm.s32 $0x1BFF;
	s21 =	sshll.u32 s7, $0x1;
	s4 =	sadd.s32 s5, s19  }
0x9d: {  	s8 =	simm.s32 $0x0;
	s20 =	sshll.u32 s6, $0x1;
	s6 =	sadd.s32 s21, s4  }
0x9e: {  	[timem:s8], [sflag:s22] =	dma.local [hbm:s6], s20  }
0x9f: {  	_ =	swait.ge [sflag:s22], s20  }
0xa0: {  	s5 =	ssub.s32 $0x0, s20;
	[sflag:s22] =	ssyncset.done $0x0  }
0xa1: {  	[sflag:s22] =	ssyncadd.s32 s5;
	_ =	sdelay $0x1  }
0xa2: {  	s23 =	simm.s32 $0x1B8B  }
0xa3: {  	_ =	swait.ge [sflag:s23], $0x1  }
0xa4: {  	[sflag:s23] =	ssyncset.done $0x0  }
0xa5: {  	s25 =	simm.s32 $0x1B8E;
	s24 =	sld [smem:$0x3FFE];
	[sflag:s23] =	ssyncadd.s32 $0xFFFFFFFF  }
0xa6: {  	s26 =	simm.s32 $execute0_lowered;
	[smem:$0x3FD2] =	sst s25  }
0xa7: {  	s6 =	sshll.u32 s26, $0x1;
	_ =	strace $0x80000046;
	[dreg:$0x1] =	wrdreg $0xFFFFFFFF  }
0xa8: {  	s28 =	simm.s32 $_size_execute0_lowered;
	s4 =	sadd.s32 s4, s6;
	[dreg:$0x0] =	wrdreg $0x0  }
0xa9: {  	s6 =	sshll.u32 s28, $0x1;
	[dreg:$0x2] =	wrdreg s4  }
0xaa: {  	[dreg:$0x3] =	wrdreg s6  }
0xab: {  	[dreg:$0x4] =	wrdreg $0xC0  }
0xac: {  	_ =	task [dreg:s8], $0x5FFFF  }
0xad: {  	[dreg:$0x1] =	wrdreg $0xFFFFFFFF  }
0xae: {  	[dreg:$0x0] =	wrdreg $0x60  }
0xaf: {  	[dreg:$0x2] =	wrdreg s24  }
0xb0: {  	[dreg:$0x3] =	wrdreg s2  }
0xb1: {  	[dreg:$0x4] =	wrdreg s18  }
0xb2: {  	[dreg:$0x5] =	wrdreg $0x9  }
0xb3: {  	_ =	task.clear_ibuf [dreg:s8], $0x6FFFF;
	_ =	strace $0x90000046  }
0xb4: {  	s29 =	simm.s32 $0x9;
	_ =	strace $0x80000048  }
0xb5: {  	_ =	swait.ge [sflag:s29], $0x1  }
0xb6: {  	[sflag:s29] =	ssyncadd.s32 $0xFFFFFFFF  }
0xb7: {  	_ =	strace $0x90000048  }
0xb8: {  	_ =	sfence  }
0xb9: {  	s30 =	sld [smem:$0x0];
	_ =	sdelay $0x2  }
0xba: {  	s31 =	sshll.u32 s1, $0xD;
	s1 =	sshrl.u32 s1, $0x2  }
0xbb: {  	s3 =	sand.u32 $0x4000, s31;
	s1 =	sadd.s32 s1, s30  }
0xbc: {  	s0 =	sor.u32 s3, s0;
	s1 =	sshll.u32 s1, $0x11  }
0xbd: {  	s0 =	sor.u32 s1, s0  }
0xbe: {  	s0 =	sadd.s32 $0x8F2B, s0  }
0xbf: {  	[sflag:s0] =	ssyncadd.remote.s32 $0x1  }
0xc0: {  	_ =	sfence.sel $0xFFFF  }
0xc1: {  	[dreg:$0x0] =	wrdreg $0xFFFFFFFF;
	(pc) =	sbr.abs _section_cstart, $3  }
0xc2: {  	[dreg:$0x1] =	wrdreg $0xFFFFFFFF  }
0xc3: {  	_ =	task.clear_ibuf [dreg:s8], $0x2FFFF;
	_ =	strace $0x9FFFFFFF  }
0xc4: {  	(tm) =	ssettm $0x7FFFFFFF  }
0xc5: {  	_ =	shalt  }
tec
execute0_lowered:
.L_overlay_start_1:
0x0: {  	(tag) =	ssettag $0x1  }
0x1: {  	s24 =	rddreg [dreg:$0x0]  }
0x2: {  	s3 =	rddreg [dreg:$0x1]  }
0x3: {  	s1 =	srdreg.scid;
	s0 =	stileid.u32  }
0x4: {  	s5 =	rddreg [dreg:$0x2];
	s25 =	sand.u32 $0x1, s1;
	s4 =	sshll.u32 s0, $0x1  }
0x5: {  	s2 =	simm.s32 $0x0;
	s1 =	rddreg [dreg:$0x3];
	s26 =	sor.u32 s25, s4  }
0x6: {  	[smem:$0x7FF] =	sst s2;
	s6 =	sshll.u32 s26, $0x6  }
0x7: {  	_ =	strace $0x80000047;
	s4 =	sadd.s32 s3, s6;
	s3 =	simm.s32 $0x3  }
0x8: {  	[tilespmem:s2], [sflag:$0x3] =	stream.linear.gather [hbm4b:s4+s2], $0x200, $0x38;
	[tilespmem:$0x10400] =	vst v63  }
0x9: {  	_ =	swait.ge [sflag:s3], $0x200  }
0xa: {  	[sflag:s3] =	ssyncset.done $0x0  }
0xb: {  	s5 =	sadd.s32 s5, s6;
	s6 =	simm.s32 $0x200;
	[sflag:s3] =	ssyncadd.s32 $0xFFFFFE00  }
0xc: {  	[tilespmem:s6], [sflag:$0x3] =	stream.linear.gather [hbm4b:s5+s2], $0x200, $0x38;
	[tilespmem:$0x10400] =	vst v63  }
0xd: {  	_ =	swait.ge [sflag:s3], $0x200  }
0xe: {  	s8 =	simm.s32 $0x80;
	[sflag:s3] =	ssyncset.done $0x0  }
0xf: {  	s9 =	simm.s32 $0x400;
	s7 =	sadd.s32 $0xF43800, s24;
	[sflag:s3] =	ssyncadd.s32 $0xFFFFFE00  }
0x10: {  	[tilespmem:s9], [sflag:$0x1] =	stream.indirect.gather [hbm4b:s7+s8], $0x40, s2, s8, $0xb8;
	[tilespmem:$0x10400] =	vst v63  }
0x11: {  	s10 =	simm.s32 $0x2400  }
0x12: {  	[tilespmem:s10], [sflag:$0x1] =	stream.indirect.gather [hbm4b:s7+s8], $0x40, s8, s8, $0xb8;
	[tilespmem:$0x10400] =	vst v63  }
0x13: {  	s11 =	simm.s32 $0x100;
	s12 =	simm.s32 $0x4400  }
0x14: {  	[tilespmem:s12], [sflag:$0x1] =	stream.indirect.gather [hbm4b:s7+s8], $0x40, s11, s8, $0xb8;
	[tilespmem:$0x10400] =	vst v63  }
0x15: {  	s13 =	simm.s32 $0x180;
	s14 =	simm.s32 $0x6400  }
0x16: {  	[tilespmem:s14], [sflag:$0x1] =	stream.indirect.gather [hbm4b:s7+s8], $0x40, s13, s8, $0xb8;
	[tilespmem:$0x10400] =	vst v63  }
0x17: {  	s15 =	simm.s32 $0x8400  }
0x18: {  	[tilespmem:s15], [sflag:$0x2] =	stream.indirect.gather [hbm4b:s7+s8], $0x40, s6, s8, $0xb8;
	[tilespmem:$0x10400] =	vst v63  }
0x19: {  	s16 =	simm.s32 $0x280;
	s17 =	simm.s32 $0xA400  }
0x1a: {  	[tilespmem:s17], [sflag:$0x2] =	stream.indirect.gather [hbm4b:s7+s8], $0x40, s16, s8, $0xb8;
	[tilespmem:$0x10400] =	vst v63  }
0x1b: {  	s18 =	simm.s32 $0x300;
	s19 =	simm.s32 $0xC400  }
0x1c: {  	[tilespmem:s19], [sflag:$0x2] =	stream.indirect.gather [hbm4b:s7+s8], $0x40, s18, s8, $0xb8;
	[tilespmem:$0x10400] =	vst v63  }
0x1d: {  	s20 =	simm.s32 $0x380;
	s21 =	simm.s32 $0xE400;
	s22 =	simm.s32 $0x1  }
0x1e: {  	[tilespmem:s21], [sflag:$0x2] =	stream.indirect.gather [hbm4b:s7+s8], $0x40, s20, s8, $0xb8;
	[tilespmem:$0x10400] =	vst v63  }
0x1f: {  	_ =	swait.ge [sflag:s22], $0x2000  }
0x20: {  	[sflag:s22] =	ssyncset.done $0x0  }
0x21: {  	[sflag:s22] =	ssyncadd.s32 $0xFFFFE000  }
0x22: {  	_ =	swait.ge [sflag:s22], $0x2000  }
0x23: {  	[sflag:s22] =	ssyncset.done $0x0  }
0x24: {  	[sflag:s22] =	ssyncadd.s32 $0xFFFFE000  }
0x25: {  	_ =	swait.ge [sflag:s22], $0x2000  }
0x26: {  	[sflag:s22] =	ssyncset.done $0x0  }
0x27: {  	[sflag:s22] =	ssyncadd.s32 $0xFFFFE000  }
0x28: {  	_ =	swait.ge [sflag:s22], $0x2000  }
0x29: {  	[sflag:s22] =	ssyncset.done $0x0  }
0x2a: {  	s23 =	simm.s32 $0x2;
	[sflag:s22] =	ssyncadd.s32 $0xFFFFE000  }
0x2b: {  	_ =	swait.ge [sflag:s23], $0x2000  }
0x2c: {  	[sflag:s23] =	ssyncset.done $0x0  }
0x2d: {  	[sflag:s23] =	ssyncadd.s32 $0xFFFFE000  }
0x2e: {  	_ =	swait.ge [sflag:s23], $0x2000  }
0x2f: {  	[sflag:s23] =	ssyncset.done $0x0  }
0x30: {  	[sflag:s23] =	ssyncadd.s32 $0xFFFFE000  }
0x31: {  	_ =	swait.ge [sflag:s23], $0x2000  }
0x32: {  	[sflag:s23] =	ssyncset.done $0x0  }
0x33: {  	s25 =	ssub.s32 $0x2, s25;
	[sflag:s23] =	ssyncadd.s32 $0xFFFFE000  }
0x34: {  	s26 =	sshll.u32 s26, $0xC;
	s28 =	sshrl.u32 s25, $0x1;
	_ =	swait.ge [sflag:s23], $0x2000  }
0x35: {  	s26 =	sadd.s32 s26, s24;
	s28 =	ssub.s32 s25, s28;
	[sflag:s23] =	ssyncset.done $0x0  }
0x36: {  	s24 =	sadd.s32 $0x21400, s26;
	s31 =	smax.u32 s28, $0x1;
	[sflag:s23] =	ssyncadd.s32 $0xFFFFE000  }
0x37: {  	[hbm4b:s24+s2] =	stream.linear.scatter [tilespmem:s9], [sflag:$0x3], $0x8000, $0x38;
	[tilespmem:$0x10400] =	vst v63  }
0x38: {  	p0 =	sne.s32 s31, $0x1;
	_ =	swait.ge [sflag:s3], $0x8000  }
.Ltmp0:
0x39: {  	[sflag:s3] =	ssyncset.done $0x0;
	(pc) =	sbr.rel @!p0 .LBB2_2-.Ltmp0, $4  }
0x3a: {  	s25 =	sadd.s32 $0x1400, s26;
	[sflag:s3] =	ssyncadd.s32 $0xFFFF8000  }
0x3b: {  	[hbm4b:s25+s2] =	stream.linear.scatter [tilespmem:s15], [sflag:$0x3], $0x8000, $0x38;
	[tilespmem:$0x10400] =	vst v63  }
0x3c: {  	_ =	swait.ge [sflag:s3], $0x8000  }
0x3d: {  	s26 =	sadd.s32 $0xFFFFFFFF, s31;
	[sflag:s3] =	ssyncset.done $0x0  }
.LBB2_1:
0x3e: {  	p0 =	sne.s32 s26, $0x1;
	s26 =	sadd.s32 $0xFFFFFFFF, s26;
	[sflag:s3] =	ssyncadd.s32 $0xFFFF8000  }
0x3f: {  	[tilespmem:s2], [sflag:$0x3] =	stream.linear.gather [hbm4b:s4+s2], $0x200, $0x38;
	[tilespmem:$0x10400] =	vst v63  }
0x40: {  	_ =	swait.ge [sflag:s3], $0x200  }
0x41: {  	[sflag:s3] =	ssyncset.done $0x0  }
0x42: {  	[sflag:s3] =	ssyncadd.s32 $0xFFFFFE00  }
0x43: {  	[tilespmem:s6], [sflag:$0x3] =	stream.linear.gather [hbm4b:s5+s2], $0x200, $0x38;
	[tilespmem:$0x10400] =	vst v63  }
0x44: {  	_ =	swait.ge [sflag:s3], $0x200  }
0x45: {  	[sflag:s3] =	ssyncset.done $0x0  }
0x46: {  	[sflag:s3] =	ssyncadd.s32 $0xFFFFFE00  }
0x47: {  	[tilespmem:s9], [sflag:$0x1] =	stream.indirect.gather [hbm4b:s7+s8], $0x40, s2, s8, $0xb8;
	[tilespmem:$0x10400] =	vst v63  }
0x48: {  	_ = 	snop  }
0x49: {  	[tilespmem:s10], [sflag:$0x1] =	stream.indirect.gather [hbm4b:s7+s8], $0x40, s8, s8, $0xb8;
	[tilespmem:$0x10400] =	vst v63  }
0x4a: {  	_ = 	snop  }
0x4b: {  	[tilespmem:s12], [sflag:$0x1] =	stream.indirect.gather [hbm4b:s7+s8], $0x40, s11, s8, $0xb8;
	[tilespmem:$0x10400] =	vst v63  }
0x4c: {  	_ = 	snop  }
0x4d: {  	[tilespmem:s14], [sflag:$0x1] =	stream.indirect.gather [hbm4b:s7+s8], $0x40, s13, s8, $0xb8;
	[tilespmem:$0x10400] =	vst v63  }
0x4e: {  	_ = 	snop  }
0x4f: {  	[tilespmem:s15], [sflag:$0x2] =	stream.indirect.gather [hbm4b:s7+s8], $0x40, s6, s8, $0xb8;
	[tilespmem:$0x10400] =	vst v63  }
0x50: {  	_ = 	snop  }
0x51: {  	[tilespmem:s17], [sflag:$0x2] =	stream.indirect.gather [hbm4b:s7+s8], $0x40, s16, s8, $0xb8;
	[tilespmem:$0x10400] =	vst v63  }
0x52: {  	_ = 	snop  }
0x53: {  	[tilespmem:s19], [sflag:$0x2] =	stream.indirect.gather [hbm4b:s7+s8], $0x40, s18, s8, $0xb8;
	[tilespmem:$0x10400] =	vst v63  }
0x54: {  	_ = 	snop  }
0x55: {  	[tilespmem:s21], [sflag:$0x2] =	stream.indirect.gather [hbm4b:s7+s8], $0x40, s20, s8, $0xb8;
	[tilespmem:$0x10400] =	vst v63  }
0x56: {  	_ =	swait.ge [sflag:s22], $0x2000  }
0x57: {  	[sflag:s22] =	ssyncset.done $0x0  }
0x58: {  	[sflag:s22] =	ssyncadd.s32 $0xFFFFE000  }
0x59: {  	_ =	swait.ge [sflag:s22], $0x2000  }
0x5a: {  	[sflag:s22] =	ssyncset.done $0x0  }
0x5b: {  	[sflag:s22] =	ssyncadd.s32 $0xFFFFE000  }
0x5c: {  	_ =	swait.ge [sflag:s22], $0x2000  }
0x5d: {  	[sflag:s22] =	ssyncset.done $0x0  }
0x5e: {  	[sflag:s22] =	ssyncadd.s32 $0xFFFFE000  }
0x5f: {  	_ =	swait.ge [sflag:s22], $0x2000  }
0x60: {  	[sflag:s22] =	ssyncset.done $0x0  }
0x61: {  	[sflag:s22] =	ssyncadd.s32 $0xFFFFE000  }
0x62: {  	_ =	swait.ge [sflag:s23], $0x2000  }
0x63: {  	[sflag:s23] =	ssyncset.done $0x0  }
0x64: {  	[sflag:s23] =	ssyncadd.s32 $0xFFFFE000  }
0x65: {  	_ =	swait.ge [sflag:s23], $0x2000  }
0x66: {  	[sflag:s23] =	ssyncset.done $0x0  }
0x67: {  	[sflag:s23] =	ssyncadd.s32 $0xFFFFE000  }
0x68: {  	_ =	swait.ge [sflag:s23], $0x2000  }
0x69: {  	[sflag:s23] =	ssyncset.done $0x0  }
0x6a: {  	[sflag:s23] =	ssyncadd.s32 $0xFFFFE000  }
0x6b: {  	_ =	swait.ge [sflag:s23], $0x2000  }
0x6c: {  	[sflag:s23] =	ssyncset.done $0x0  }
0x6d: {  	[sflag:s23] =	ssyncadd.s32 $0xFFFFE000  }
0x6e: {  	[hbm4b:s24+s2] =	stream.linear.scatter [tilespmem:s9], [sflag:$0x3], $0x8000, $0x38;
	[tilespmem:$0x10400] =	vst v63  }
0x6f: {  	_ =	swait.ge [sflag:s3], $0x8000  }
.Ltmp1:
0x70: {  	[sflag:s3] =	ssyncset.done $0x0;
	(pc) =	sbr.rel @p0 .LBB2_1-.Ltmp1, $4  }
0x71: {  	[sflag:s3] =	ssyncadd.s32 $0xFFFF8000  }
0x72: {  	[hbm4b:s25+s2] =	stream.linear.scatter [tilespmem:s15], [sflag:$0x3], $0x8000, $0x38;
	[tilespmem:$0x10400] =	vst v63  }
0x73: {  	_ =	swait.ge [sflag:s3], $0x8000  }
0x74: {  	[sflag:s3] =	ssyncset.done $0x0  }
.LBB2_2:
0x75: {  	[sflag:s3] =	ssyncadd.s32 $0xFFFF8000  }
0x76: {  	_ =	sfence.sel $0x180000  }
0x77: {  	[bflag:$0x0] =	sbarrier.arrive $0xFFFF  }
0x78: {  	p0 =	sne.s32 s0, $0x0;
	_ =	strace $0x90000047  }
0x79: {  	s0 =	sadd.s32 @!p0 $0x100000, s1;
	[bflag:$0x2] =	sbarrier.arrive $0xFFFF  }
0x7a: {  	[sflag:s0] =	ssyncadd.tile.s32 @!p0 $0x1;
	_ =	shalt  }
.Lfunc_end2:
_tile_overlayer_lowered:
.L_overlay_start_2:
0x7b: {  	(tag) =	ssettag $0x2  }
0x7c: {  	s0 =	rddreg [dreg:$0x0];
	s2 =	stileid.u32  }
0x7d: {  	s1 =	rddreg [dreg:$0x1];
	p0 =	sne.s32 s2, $0x0  }
0x7e: {  	s3 =	rddreg [dreg:$0x2];
	[bflag:$0x3] =	sbarrier.arrive $0xFFFF;
	s2 =	simm.s32 @!p0 $0x1C03  }
0x7f: {  	[timem:s3], [sflag:s2] =	dma.local @!p0 [hbm:s0], s1  }
0x80: {  	s0 =	simm.s32 @!p0 $0x3  }
0x81: {  	_ =	swait.ge @!p0 [sflag:s0], s1  }
0x82: {  	s1 =	ssub.s32 @!p0 $0x0, s1;
	[sflag:s0] =	ssyncset.done @!p0 $0x0  }
0x83: {  	[sflag:s0] =	ssyncadd.s32 @!p0 s1  }
0x84: {  	[bflag:$0x3] =	sbarrier.arrive $0xFFFF  }
0x85: {  	_ =	shalt  }

</sc_bundles>
